<compile_context>
chip_gen: v7x
topology: tpu7x:2x2x1
jax: 0.10.2.dev20260603
libtpu: 0.0.44.dev20260713+nightly
codegen_flags: <defaults>
</compile_context>

<pallas_src>
import functools

import jax
import jax.numpy as jnp
from jax import lax
from jax.experimental import pallas as pl
from jax.experimental.pallas import tpu as pltpu
from jax.experimental.pallas import tpu_sc as plsc

_B = 64
_HW = 169
_HWP = 176
_NTILE = 32
_CELLS = 352
_NGRP = 22


def _sc_loss(pred_hbm, tgt_hbm, out_hbm, pred_v, tgt_v, out_v):
    wid = lax.axis_index("s") * 2 + lax.axis_index("c")
    pltpu.sync_copy(pred_hbm.at[wid], pred_v)
    pltpu.sync_copy(tgt_hbm.at[wid], tgt_v)

    zero = jnp.zeros((16,), jnp.float32)

    def body(g, acc):
        off = g * 16
        return acc + pred_v[0, pl.ds(off, 16)] + tgt_v[0, pl.ds(off, 16)]

    acc = lax.fori_loop(0, _NGRP, body, zero)
    out_v[...] = acc
    pltpu.sync_copy(out_v, out_hbm.at[wid])


def kernel(prediction, target):
    p = prediction.reshape(_B, 125, _HW)
    p = jnp.pad(p, ((0, 0), (0, 0), (0, _HWP - _HW)))
    p = p.reshape(_NTILE, 2, 125, _HWP)
    p = jnp.transpose(p, (0, 2, 1, 3)).reshape(_NTILE, 125, _CELLS)

    t = jnp.transpose(target.reshape(_B, _HW, 25), (0, 2, 1))
    t = jnp.pad(t, ((0, 0), (0, 0), (0, _HWP - _HW)))
    t = t.reshape(_NTILE, 2, 25, _HWP)
    t = jnp.transpose(t, (0, 2, 1, 3)).reshape(_NTILE, 25, _CELLS)

    mesh = plsc.VectorSubcoreMesh(core_axis_name="c", subcore_axis_name="s")
    f = functools.partial(
        pl.kernel,
        out_type=jax.ShapeDtypeStruct((_NTILE, 16), jnp.float32),
        mesh=mesh,
        scratch_types=[
            pltpu.VMEM((125, _CELLS), jnp.float32),
            pltpu.VMEM((25, _CELLS), jnp.float32),
            pltpu.VMEM((16,), jnp.float32),
        ],
    )(_sc_loss)
    part = f(p, t)

    s = jnp.sum(part, axis=0)
    return (s[0], s[1], s[2], s[3])

# --- scband reference (transcript-rebuilt; emitter-appended) ---
"""Pipeline reference for scband-loss-18769007084470 (READ-ONLY COPY).

The authoritative reference and input builder live on the scoring server;
editing this copy changes nothing except your own understanding.
"""

import jax, jax.numpy as jnp
import numpy as np

FEATURE_SIZE = 13
NUM_CLASSES = 20
BATCH_SIZE = 64
LAMBDA_COORD = 5.0
LAMBDA_NOOBJ = 0.5
ANCHORS = jnp.array([[1.3221, 1.73145], [3.19275, 4.00944], [5.05587, 8.09892], [9.47112, 4.84053], [11.2364, 10.0071]], dtype=jnp.float32)


def generate_anchorbox(pred_box):
    h, w = pred_box.shape[1], pred_box.shape[2]
    gy, gx = jnp.meshgrid(jnp.arange(h, dtype=jnp.float32), jnp.arange(w, dtype=jnp.float32), indexing='ij')
    offs = jnp.stack([gx, gy], axis=-1)[None, :, :, None, :]
    xy = pred_box[..., 0:2] + offs
    wh = pred_box[..., 2:4] * ANCHORS[None, None, None, :, :]
    return jnp.concatenate([xy, wh], axis=-1)


def box_iou(a, b):
    a_lt = a[..., 0:2] - a[..., 2:4] / 2.0
    a_rb = a[..., 0:2] + a[..., 2:4] / 2.0
    b_lt = b[..., 0:2] - b[..., 2:4] / 2.0
    b_rb = b[..., 0:2] + b[..., 2:4] / 2.0
    lt = jnp.maximum(a_lt, b_lt)
    rb = jnp.minimum(a_rb, b_rb)
    wh_i = jnp.clip(rb - lt, 0.0)
    inter = wh_i[..., 0] * wh_i[..., 1]
    area_a = a[..., 2] * a[..., 3]
    area_b = b[..., 2] * b[..., 3]
    return inter / (area_a + area_b - inter + 1e-8)


def setup_inputs(seed: int = 0):
    key = jax.random.key(seed)
    k1, k2 = jax.random.split(key)
    prediction = jax.random.normal(k1, (64, 125, 13, 13), dtype=jnp.float32)
    target = jax.random.uniform(k2, (64, 13, 13, 25), dtype=jnp.float32)
    return {"prediction": prediction, "target": target}


def reference(prediction, target):
    bsize, _, h, w = prediction.shape
    out = jnp.transpose(prediction, (0, 2, 3, 1)).reshape(bsize, h, w, ANCHORS.shape[0], 5 + NUM_CLASSES)
    target = target[:, :, :, None, :]
    pred_conf = jax.nn.sigmoid(out[..., 20])
    pred_xy = jax.nn.sigmoid(out[..., 21:23])
    pred_wh = jnp.exp(out[..., 23:25])
    pred_cls = out[..., :20]
    pred_box = jnp.concatenate([pred_xy, pred_wh], axis=-1)
    pred_box = generate_anchorbox(pred_box)
    gt_conf = target[..., 20]
    gt_xy = target[..., 21:23]
    gt_wh = target[..., 23:25]
    gt_cls_all = target[..., :20]
    gt_box = jnp.concatenate([gt_xy, gt_wh], axis=-1)
    obj_mask = (gt_conf[..., 0] > 0).astype(jnp.float32)
    iou = box_iou(pred_box, gt_box)
    argmax_idx = jnp.argmax(iou, axis=-1, keepdims=True)
    inv = 1.0 - gt_conf
    noobj_mask = (inv[..., 0] > 0).astype(jnp.float32)
    pred_box_best = jnp.take_along_axis(pred_box, argmax_idx[..., None], axis=3)[:, :, :, 0, :]
    gt_box0 = gt_box[:, :, :, 0, :]
    box_loss = (1.0 / BATCH_SIZE) * LAMBDA_COORD * jnp.sum(obj_mask[..., None] * (pred_box_best - gt_box0) ** 2)
    pred_conf_best = jnp.take_along_axis(pred_conf, argmax_idx, axis=3)[..., 0]
    gt_conf0 = gt_conf[..., 0]
    conf_loss = (1.0 / BATCH_SIZE) * jnp.sum(obj_mask * (pred_conf_best - gt_conf0) ** 2)
    noobj_loss = (1.0 / BATCH_SIZE) * LAMBDA_NOOBJ * jnp.sum(noobj_mask * (pred_conf_best - gt_conf0) ** 2)
    pred_cls_best = jnp.take_along_axis(pred_cls, argmax_idx[..., None], axis=3)[:, :, :, 0, :]
    gt_cls0 = gt_cls_all[:, :, :, 0, :]
    labels = jnp.argmax(gt_cls0, axis=-1)
    logp = jax.nn.log_softmax(pred_cls_best, axis=-1)
    picked = jnp.take_along_axis(logp, labels[..., None], axis=-1)[..., 0]
    cls_loss = -jnp.sum(obj_mask * picked) / jnp.sum(obj_mask)
    return (box_loss, conf_loss, noobj_loss, cls_loss)

if __name__ == "__main__":
    import jax
    _d = setup_inputs()
    print(jax.jit(kernel)(*tuple(_d.values())))

</pallas_src>

<mosaic_0001>
#map = affine_map<(d0, d1) -> (0, 0, 0)>
#map1 = affine_map<(d0, d1) -> (0, 0)>
module attributes {stable_mosaic.version = 14 : i64} {
  func.func @_sc_loss(%arg0: i32, %arg1: i32, %arg2: memref<32x125x352xf32, #tpu.memory_space<hbm>>, %arg3: memref<32x25x352xf32, #tpu.memory_space<hbm>>, %arg4: memref<32x16xf32, #tpu.memory_space<hbm>>, %arg5: memref<125x352xf32, #tpu.memory_space<vmem>>, %arg6: memref<25x352xf32, #tpu.memory_space<vmem>>, %arg7: memref<16xf32, #tpu.memory_space<vmem>>) attributes {dimension_semantics = [#tpu.dimension_semantics<core_parallel>, #tpu.dimension_semantics<subcore_parallel>], iteration_bounds = array<i64: 2, 16>, scalar_prefetch = 0 : i64, scratch_operands = 3 : i64, tpu.core_type = #tpu.core_type<sc_vector_subcore>, window_params = [{transform_indices = #map}, {transform_indices = #map}, {transform_indices = #map1}]} {
    %mul3A = arith.constant 2 : i32
    %mul3A_0 = arith.muli %arg1, %mul3A : i32
    %add3A = arith.addi %mul3A_0, %arg0 : i32
    "tpu.region"() ({
      %run_scoped3A = tpu.sem_alloc : memref<!tpu.dma_semaphore, #tpu.memory_space<semaphore_mem>>
      %dma_start3A = arith.constant 0 : i32
      %dma_start3A_10 = arith.constant 0 : i32
      %dma_start3A_11 = tpu.memref_slice %arg2[%add3A, %dma_start3A, %dma_start3A_10] : memref<32x125x352xf32, #tpu.memory_space<hbm>> -> memref<1x125x352xf32, #tpu.memory_space<hbm>>
      %dma_start3A_12 = tpu.memref_squeeze %dma_start3A_11 : memref<1x125x352xf32, #tpu.memory_space<hbm>> -> memref<125x352xf32, #tpu.memory_space<hbm>>
      %dma_start3A_13 = arith.constant 0 : i32
      %dma_start3A_14 = arith.constant 0 : i32
      %dma_start3A_15 = tpu.memref_slice %arg2[%add3A, %dma_start3A_13, %dma_start3A_14] : memref<32x125x352xf32, #tpu.memory_space<hbm>> -> memref<1x125x352xf32, #tpu.memory_space<hbm>>
      %dma_start3A_16 = tpu.memref_squeeze %dma_start3A_15 : memref<1x125x352xf32, #tpu.memory_space<hbm>> -> memref<125x352xf32, #tpu.memory_space<hbm>>
      tpu.enqueue_dma source(%dma_start3A_16 : memref<125x352xf32, #tpu.memory_space<hbm>>) target(%arg5 : memref<125x352xf32, #tpu.memory_space<vmem>>) target_semaphore(%run_scoped3A : memref<!tpu.dma_semaphore, #tpu.memory_space<semaphore_mem>>)
      %dma_wait3A = arith.constant 0 : i32
      %dma_wait3A_17 = arith.constant 0 : i32
      %dma_wait3A_18 = tpu.memref_slice %arg2[%add3A, %dma_wait3A, %dma_wait3A_17] : memref<32x125x352xf32, #tpu.memory_space<hbm>> -> memref<1x125x352xf32, #tpu.memory_space<hbm>>
      %dma_wait3A_19 = tpu.memref_squeeze %dma_wait3A_18 : memref<1x125x352xf32, #tpu.memory_space<hbm>> -> memref<125x352xf32, #tpu.memory_space<hbm>>
      %dma_wait3A_20 = arith.constant 0 : i32
      %dma_wait3A_21 = arith.constant 0 : i32
      %dma_wait3A_22 = tpu.memref_slice %arg2[%add3A, %dma_wait3A_20, %dma_wait3A_21] : memref<32x125x352xf32, #tpu.memory_space<hbm>> -> memref<1x125x352xf32, #tpu.memory_space<hbm>>
      %dma_wait3A_23 = tpu.memref_squeeze %dma_wait3A_22 : memref<1x125x352xf32, #tpu.memory_space<hbm>> -> memref<125x352xf32, #tpu.memory_space<hbm>>
      tpu.wait_dma2 semaphore(%run_scoped3A : memref<!tpu.dma_semaphore, #tpu.memory_space<semaphore_mem>>) src(%dma_wait3A_23 : memref<125x352xf32, #tpu.memory_space<hbm>>) dst(%arg5 : memref<125x352xf32, #tpu.memory_space<vmem>>)
      tpu.yield
    }) : () -> ()
    "tpu.region"() ({
      %run_scoped3A = tpu.sem_alloc : memref<!tpu.dma_semaphore, #tpu.memory_space<semaphore_mem>>
      %dma_start3A = arith.constant 0 : i32
      %dma_start3A_10 = arith.constant 0 : i32
      %dma_start3A_11 = tpu.memref_slice %arg3[%add3A, %dma_start3A, %dma_start3A_10] : memref<32x25x352xf32, #tpu.memory_space<hbm>> -> memref<1x25x352xf32, #tpu.memory_space<hbm>>
      %dma_start3A_12 = tpu.memref_squeeze %dma_start3A_11 : memref<1x25x352xf32, #tpu.memory_space<hbm>> -> memref<25x352xf32, #tpu.memory_space<hbm>>
      %dma_start3A_13 = arith.constant 0 : i32
      %dma_start3A_14 = arith.constant 0 : i32
      %dma_start3A_15 = tpu.memref_slice %arg3[%add3A, %dma_start3A_13, %dma_start3A_14] : memref<32x25x352xf32, #tpu.memory_space<hbm>> -> memref<1x25x352xf32, #tpu.memory_space<hbm>>
      %dma_start3A_16 = tpu.memref_squeeze %dma_start3A_15 : memref<1x25x352xf32, #tpu.memory_space<hbm>> -> memref<25x352xf32, #tpu.memory_space<hbm>>
      tpu.enqueue_dma source(%dma_start3A_16 : memref<25x352xf32, #tpu.memory_space<hbm>>) target(%arg6 : memref<25x352xf32, #tpu.memory_space<vmem>>) target_semaphore(%run_scoped3A : memref<!tpu.dma_semaphore, #tpu.memory_space<semaphore_mem>>)
      %dma_wait3A = arith.constant 0 : i32
      %dma_wait3A_17 = arith.constant 0 : i32
      %dma_wait3A_18 = tpu.memref_slice %arg3[%add3A, %dma_wait3A, %dma_wait3A_17] : memref<32x25x352xf32, #tpu.memory_space<hbm>> -> memref<1x25x352xf32, #tpu.memory_space<hbm>>
      %dma_wait3A_19 = tpu.memref_squeeze %dma_wait3A_18 : memref<1x25x352xf32, #tpu.memory_space<hbm>> -> memref<25x352xf32, #tpu.memory_space<hbm>>
      %dma_wait3A_20 = arith.constant 0 : i32
      %dma_wait3A_21 = arith.constant 0 : i32
      %dma_wait3A_22 = tpu.memref_slice %arg3[%add3A, %dma_wait3A_20, %dma_wait3A_21] : memref<32x25x352xf32, #tpu.memory_space<hbm>> -> memref<1x25x352xf32, #tpu.memory_space<hbm>>
      %dma_wait3A_23 = tpu.memref_squeeze %dma_wait3A_22 : memref<1x25x352xf32, #tpu.memory_space<hbm>> -> memref<25x352xf32, #tpu.memory_space<hbm>>
      tpu.wait_dma2 semaphore(%run_scoped3A : memref<!tpu.dma_semaphore, #tpu.memory_space<semaphore_mem>>) src(%dma_wait3A_23 : memref<25x352xf32, #tpu.memory_space<hbm>>) dst(%arg6 : memref<25x352xf32, #tpu.memory_space<vmem>>)
      tpu.yield
    }) : () -> ()
    %broadcast_in_dim3A = arith.constant 0.000000e+00 : f32
    %broadcast_in_dim3A_1 = vector.broadcast %broadcast_in_dim3A : f32 to vector<16xf32>
    %scan3A = arith.constant 0 : i32
    %scan3A_2 = arith.constant 22 : i32
    %scan3A_3 = arith.addi %scan3A, %scan3A_2 : i32
    %scan3A_4 = arith.constant 1 : i32
    %scan3A_5 = scf.for %scan3A_10 = %scan3A to %scan3A_3 step %scan3A_4 iter_args(%scan3A_11 = %broadcast_in_dim3A_1) -> (vector<16xf32>)  : i32 {
      %mul3A_12 = arith.constant 16 : i32
      %mul3A_13 = arith.muli %scan3A_10, %mul3A_12 : i32
      %get3A = arith.constant 0 : i32
      %get3A_14 = arith.index_cast %get3A : i32 to index
      %get3A_15 = arith.index_cast %mul3A_13 : i32 to index
      %get3A_16 = tpu.vector_load %arg5[%get3A_14, %get3A_15] {strides = array<i32>} : memref<125x352xf32, #tpu.memory_space<vmem>>, vector<1x16xf32>,
      %get3A_17 = vector.shape_cast %get3A_16 : vector<1x16xf32> to vector<16xf32>
      %add3A_18 = arith.addf %scan3A_11, %get3A_17 : vector<16xf32>
      %get3A_19 = arith.constant 0 : i32
      %get3A_20 = arith.index_cast %get3A_19 : i32 to index
      %get3A_21 = arith.index_cast %mul3A_13 : i32 to index
      %get3A_22 = tpu.vector_load %arg6[%get3A_20, %get3A_21] {strides = array<i32>} : memref<25x352xf32, #tpu.memory_space<vmem>>, vector<1x16xf32>,
      %get3A_23 = vector.shape_cast %get3A_22 : vector<1x16xf32> to vector<16xf32>
      %add3A_24 = arith.addf %add3A_18, %get3A_23 : vector<16xf32>
      scf.yield %add3A_24 : vector<16xf32>
    }
    %scan3A_6 = arith.constant 22 : i32
    %swap3A = arith.constant 0 : index
    %swap3A_7 = tpu.vector_load %arg7[%swap3A] {strides = array<i32>} : memref<16xf32, #tpu.memory_space<vmem>>, vector<16xf32>,
    %swap3A_8 = vector.shape_cast %swap3A_7 : vector<16xf32> to vector<16xf32>
    %swap3A_9 = vector.shape_cast %scan3A_5 : vector<16xf32> to vector<16xf32>
    tpu.vector_store %arg7[%swap3A], %swap3A_9 {strides = array<i32>} : memref<16xf32, #tpu.memory_space<vmem>>, vector<16xf32>,
    "tpu.region"() ({
      %run_scoped3A = tpu.sem_alloc : memref<!tpu.dma_semaphore, #tpu.memory_space<semaphore_mem>>
      %dma_start3A = arith.constant 0 : i32
      %dma_start3A_10 = tpu.memref_slice %arg4[%add3A, %dma_start3A] : memref<32x16xf32, #tpu.memory_space<hbm>> -> memref<1x16xf32, #tpu.memory_space<hbm>>
      %dma_start3A_11 = tpu.memref_squeeze %dma_start3A_10 : memref<1x16xf32, #tpu.memory_space<hbm>> -> memref<16xf32, #tpu.memory_space<hbm>>
      %dma_start3A_12 = arith.constant 0 : i32
      %dma_start3A_13 = tpu.memref_slice %arg4[%add3A, %dma_start3A_12] : memref<32x16xf32, #tpu.memory_space<hbm>> -> memref<1x16xf32, #tpu.memory_space<hbm>>
      %dma_start3A_14 = tpu.memref_squeeze %dma_start3A_13 : memref<1x16xf32, #tpu.memory_space<hbm>> -> memref<16xf32, #tpu.memory_space<hbm>>
      tpu.enqueue_dma source(%arg7 : memref<16xf32, #tpu.memory_space<vmem>>) target(%dma_start3A_14 : memref<16xf32, #tpu.memory_space<hbm>>) target_semaphore(%run_scoped3A : memref<!tpu.dma_semaphore, #tpu.memory_space<semaphore_mem>>)
      %dma_wait3A = arith.constant 0 : i32
      %dma_wait3A_15 = tpu.memref_slice %arg4[%add3A, %dma_wait3A] : memref<32x16xf32, #tpu.memory_space<hbm>> -> memref<1x16xf32, #tpu.memory_space<hbm>>
      %dma_wait3A_16 = tpu.memref_squeeze %dma_wait3A_15 : memref<1x16xf32, #tpu.memory_space<hbm>> -> memref<16xf32, #tpu.memory_space<hbm>>
      %dma_wait3A_17 = arith.constant 0 : i32
      %dma_wait3A_18 = tpu.memref_slice %arg4[%add3A, %dma_wait3A_17] : memref<32x16xf32, #tpu.memory_space<hbm>> -> memref<1x16xf32, #tpu.memory_space<hbm>>
      %dma_wait3A_19 = tpu.memref_squeeze %dma_wait3A_18 : memref<1x16xf32, #tpu.memory_space<hbm>> -> memref<16xf32, #tpu.memory_space<hbm>>
      tpu.wait_dma2 semaphore(%run_scoped3A : memref<!tpu.dma_semaphore, #tpu.memory_space<semaphore_mem>>) src(%arg7 : memref<16xf32, #tpu.memory_space<vmem>>) dst(%dma_wait3A_19 : memref<16xf32, #tpu.memory_space<hbm>>)
      tpu.yield
    }) : () -> ()
    return
  }
}

</mosaic_0001>

<sc_bundles>
// kernel: kernel.3.cloned.1.call-start
scs
__scs_entry_jumppad:
0x0: {  	(pc) =	sbr.rel $0x88, $3  }
0x1: {  	(tag) =	ssettag $0x0;
	lr =	simm.s32 $0x1  }
0x2: {  	[smem:$0x3F9F] =	sst lr;
	_ =	strace $0xD0000000  }
0x3: {  	_ = 	snop  }
0x4: {  	_ = 	snop  }
0x5: {  	_ = 	snop  }
0x6: {  	_ = 	snop  }
0x7: {  	_ = 	snop  }
__scs_overlays_trampoline_lowered:
0x8: {  	[smem:$0x3FAE] =	sst s0  }
0x9: {  	[smem:$0x3FAF] =	sst s1  }
0xa: {  	[smem:$0x3FB0] =	sst s2  }
0xb: {  	[smem:$0x3FB1] =	sst s3  }
0xc: {  	[smem:$0x3FB2] =	sst s4  }
0xd: {  	[smem:$0x3FB3] =	sst s5  }
0xe: {  	[smem:$0x3FB4] =	sst s6  }
0xf: {  	[smem:$0x3FB5] =	sst s7  }
0x10: {  	[smem:$0x3FB6] =	sst s8  }
0x11: {  	[smem:$0x3FB7] =	sst s9;
	s0 =	simm.s32 @!p0 $0x0  }
0x12: {  	s1 =	sld [smem:$0x3F9D];
	s0 =	simm.s32 @p0 $0x1  }
0x13: {  	[smem:$0x3FB8] =	sst s0;
	s0 =	simm.s32 @!p1 $0x0  }
0x14: {  	s2 =	sld [smem:$0x3F9C];
	s0 =	simm.s32 @p1 $0x1  }
0x15: {  	[smem:$0x3FB9] =	sst s0;
	s0 =	simm.s32 @!p2 $0x0  }
0x16: {  	s3 =	sld [smem:$0x3FDB];
	s0 =	simm.s32 @p2 $0x1  }
0x17: {  	s4 =	simm.s32 $0x1BF5;
	[smem:$0x3FBB] =	sst s0  }
0x18: {  	s0 =	sld [smem:$0x3F9E];
	_ =	swait.ge [sflag:s4], $0x0  }
0x19: {  	s7 =	sld [smem:$0x3F9F]  }
0x1a: {  	s8 =	sadd.s32 $0xFFFFE003, lr  }
0x1b: {  	s9 =	sadd.s32 $0xFFFFFEF7, lr;
	s5 =	simm.s32 $0xFFFFFFFF;
	p2 =	slt.u32 s8, $0xFFFFF086  }
0x1c: {  	p1 =	slt.u32 s9, $0xF7A;
	s5 =	simm.s32 @!p2 $0x0  }
0x1d: {  	s5 =	simm.s32 @p1 $0x1;
	p0 =	seq.s32 s7, s2  }
0x1e: {  	s7 =	smul.u32 @!p0 $0xF7A, s2;
	p2 =	seq.s32 @!p0 s5, $0x0  }
0x1f: {  	s9 =	smul.u32 $0xF7A, s1;
	s8 =	simm.s32 @!p0 $0x1BF5;
	p2 =	por !p2, p0  }
0x20: {  	[sflag:s8] =	ssyncset.s32 @!p0 $0xFFFFF086;
	s6 =	sadd.s32 @!p0 s3, s7;
	s7 =	simm.s32 @!p0 $0x108  }
0x21: {  	s3 =	sadd.s32 s3, s9;
	s6 =	sadd.s32 @!p0 $0x88, s6;
	s7 =	simm.s32 @p2 $0x1082  }
0x22: {  	[simem:s7], [sflag:s8] =	dma.local @!p0 [hbm:s6], $0xF7A  }
0x23: {  	s9 =	sor.u32 $0xD0000000, s2;
	s6 =	simm.s32 $0x108;
	_ =	swait.ge @!p0 [sflag:s8], $0x0  }
0x24: {  	s3 =	sadd.s32 $0x88, s3;
	s6 =	simm.s32 @!p1 $0x1082;
	[sflag:s4] =	ssyncset.s32 $0xFFFFF086  }
0x25: {  	[simem:s6], [sflag:s4] =	dma.local [hbm:s3], $0xF7A  }
0x26: {  	[smem:$0x3F9F] =	sst s1;
	(tag) =	ssettag s2;
	_ =	strace s9  }
0x27: {  	s1 =	sld [smem:$0x3FAF]  }
0x28: {  	s2 =	sld [smem:$0x3FB0]  }
0x29: {  	s4 =	sld [smem:$0x3FB2]  }
0x2a: {  	p0 =	seq.s32 s5, $0x0;
	s5 =	sld [smem:$0x3FB3]  }
0x2b: {  	s6 =	sld [smem:$0x3FB4]  }
0x2c: {  	s7 =	sld [smem:$0x3FB5]  }
0x2d: {  	s3 =	simm.s32 $0x108;
	s8 =	sld [smem:$0x3FB6]  }
0x2e: {  	s3 =	simm.s32 @!p0 $0x1082;
	s9 =	sld [smem:$0x3FB7]  }
0x2f: {  	lr =	sadd.s32 s0, s3;
	s0 =	sld [smem:$0x3FAE]  }
0x30: {  	s3 =	sld [smem:$0x3FB1]  }
0x31: {  	[smem:$0x3FBA] =	sst s10  }
0x32: {  	s10 =	sld [smem:$0x3FB8];
	_ =	sdelay $0x3  }
0x33: {  	p0 =	seq.s32 s10, $0x1;
	s10 =	sld [smem:$0x3FBA];
	_ =	sdelay $0x3  }
0x34: {  	[smem:$0x3FBA] =	sst s10  }
0x35: {  	s10 =	sld [smem:$0x3FB9];
	_ =	sdelay $0x3  }
0x36: {  	p1 =	seq.s32 s10, $0x1;
	s10 =	sld [smem:$0x3FBA];
	_ =	sdelay $0x3  }
0x37: {  	[smem:$0x3FBA] =	sst s10  }
0x38: {  	s10 =	sld [smem:$0x3FBB]  }
0x39: {  	_ = 	snop;
	(pc) =	sbr.ind lr, $3  }
0x3a: {  	_ = 	snop  }
0x3b: {  	_ = 	snop  }
0x3c: {  	p2 =	seq.s32 s10, $0x1;
	s10 =	sld [smem:$0x3FBA]  }
0x3d: {  	_ =	shalt  }
0x3e: {  	_ =	shalt  }
0x3f: {  	_ =	shalt  }
0x40: {  	_ =	shalt  }
0x41: {  	_ =	shalt  }
0x42: {  	_ =	shalt  }
0x43: {  	_ =	shalt  }
0x44: {  	_ =	shalt  }
0x45: {  	_ =	shalt  }
0x46: {  	_ =	shalt  }
0x47: {  	_ =	shalt  }
0x48: {  	_ =	shalt  }
0x49: {  	_ =	shalt  }
0x4a: {  	_ =	shalt  }
0x4b: {  	_ =	shalt  }
0x4c: {  	_ =	shalt  }
0x4d: {  	_ =	shalt  }
0x4e: {  	_ =	shalt  }
0x4f: {  	_ =	shalt  }
0x50: {  	_ =	shalt  }
0x51: {  	_ =	shalt  }
0x52: {  	_ =	shalt  }
0x53: {  	_ =	shalt  }
0x54: {  	_ =	shalt  }
0x55: {  	_ =	shalt  }
0x56: {  	_ =	shalt  }
0x57: {  	_ =	shalt  }
0x58: {  	_ =	shalt  }
0x59: {  	_ =	shalt  }
0x5a: {  	_ =	shalt  }
0x5b: {  	_ =	shalt  }
0x5c: {  	_ =	shalt  }
0x5d: {  	_ =	shalt  }
0x5e: {  	_ =	shalt  }
0x5f: {  	_ =	shalt  }
0x60: {  	_ =	shalt  }
0x61: {  	_ =	shalt  }
0x62: {  	_ =	shalt  }
0x63: {  	_ =	shalt  }
0x64: {  	_ =	shalt  }
0x65: {  	_ =	shalt  }
0x66: {  	_ =	shalt  }
0x67: {  	_ =	shalt  }
0x68: {  	_ =	shalt  }
0x69: {  	_ =	shalt  }
0x6a: {  	_ =	shalt  }
0x6b: {  	_ =	shalt  }
0x6c: {  	_ =	shalt  }
0x6d: {  	_ =	shalt  }
0x6e: {  	_ =	shalt  }
0x6f: {  	_ =	shalt  }
0x70: {  	_ =	shalt  }
0x71: {  	_ =	shalt  }
0x72: {  	_ =	shalt  }
0x73: {  	_ =	shalt  }
0x74: {  	_ =	shalt  }
0x75: {  	_ =	shalt  }
0x76: {  	_ =	shalt  }
0x77: {  	_ =	shalt  }
0x78: {  	_ =	shalt  }
0x79: {  	_ =	shalt  }
0x7a: {  	_ =	shalt  }
0x7b: {  	_ =	shalt  }
0x7c: {  	_ =	shalt  }
0x7d: {  	_ =	shalt  }
0x7e: {  	_ =	shalt  }
0x7f: {  	_ =	shalt  }
0x80: {  	_ =	shalt  }
0x81: {  	_ =	shalt  }
0x82: {  	_ =	shalt  }
0x83: {  	_ =	shalt  }
0x84: {  	_ =	shalt  }
0x85: {  	_ =	shalt  }
0x86: {  	_ =	shalt  }
0x87: {  	_ =	shalt  }
.Lfunc_end0:
.L_simem_size_0:
called_computation_lowered:
.L_overlay_start_0:
0x88: {  	s2 =	sld [smem:$0x3FD9]  }
0x89: {  	s3 =	sld [smem:$0x3FFE];
	_ =	sdelay $0x1  }
0x8a: {  	s1 =	srdreg.scid  }
0x8b: {  	s0 =	sand.u32 $0x1, s1  }
0x8c: {  	s16 =	sshll.u32 s0, $0xA;
	s2 =	sadd.s32 s3, s2  }
0x8d: {  	s2 =	sadd.s32 s2, s16  }
0x8e: {  	[smem:$0x3FC6] =	sst s2  }
0x8f: {  	_ = 	snop  }
0x90: {  	(tm) =	ssettm $0x1  }
0x91: {  	s17 =	sld [smem:$0x3FFB];
	_ =	sdelay $0x3  }
0x92: {  	_ =	strace s17  }
0x93: {  	s2 =	sld [smem:$0x3FFC];
	_ =	sdelay $0x3  }
0x94: {  	_ =	strace s2  }
0x95: {  	s2 =	sld [smem:$0x3FFD];
	_ =	sdelay $0x3  }
0x96: {  	_ =	strace s2  }
0x97: {  	_ =	strace $0x8FFFFFFF  }
0x98: {  	s18 =	sld [smem:$0x3FDB];
	_ =	sdelay $0x1  }
0x99: {  	s19 =	simm.s32 $_scs_section_size  }
0x9a: {  	s4 =	simm.s32 $_size__tile_overlayer_lowered;
	s5 =	simm.s32 $_tile_overlayer_lowered  }
0x9b: {  	s22 =	simm.s32 $0x1BFF;
	s21 =	sshll.u32 s5, $0x1;
	s2 =	sadd.s32 s19, s18  }
0x9c: {  	s6 =	simm.s32 $0x0;
	s20 =	sshll.u32 s4, $0x1;
	s4 =	sadd.s32 s21, s2  }
0x9d: {  	[timem:s6], [sflag:s22] =	dma.local [hbm:s4], s20  }
0x9e: {  	_ =	swait.ge [sflag:s22], s20  }
0x9f: {  	s3 =	ssub.s32 $0x0, s20;
	[sflag:s22] =	ssyncset.done $0x0  }
0xa0: {  	[sflag:s22] =	ssyncadd.s32 s3;
	_ =	sdelay $0x1  }
0xa1: {  	s23 =	simm.s32 $0x1B8B  }
0xa2: {  	_ =	swait.ge [sflag:s23], $0x1  }
0xa3: {  	[sflag:s23] =	ssyncset.done $0x0  }
0xa4: {  	s25 =	simm.s32 $0x1B8E;
	s24 =	sld [smem:$0x3FFE];
	[sflag:s23] =	ssyncadd.s32 $0xFFFFFFFF  }
0xa5: {  	s26 =	simm.s32 $execute0_lowered;
	[smem:$0x3FD2] =	sst s25  }
0xa6: {  	s4 =	sshll.u32 s26, $0x1;
	_ =	strace $0x80000046;
	[dreg:$0x1] =	wrdreg $0xFFFFFFFF  }
0xa7: {  	s28 =	simm.s32 $_size_execute0_lowered;
	s2 =	sadd.s32 s2, s4;
	[dreg:$0x0] =	wrdreg $0x0  }
0xa8: {  	s4 =	sshll.u32 s28, $0x1;
	[dreg:$0x2] =	wrdreg s2  }
0xa9: {  	[dreg:$0x3] =	wrdreg s4  }
0xaa: {  	[dreg:$0x4] =	wrdreg $0xC0  }
0xab: {  	_ =	task [dreg:s6], $0x5FFFF  }
0xac: {  	[dreg:$0x1] =	wrdreg $0xFFFFFFFF  }
0xad: {  	[dreg:$0x0] =	wrdreg $0x60  }
0xae: {  	[dreg:$0x2] =	wrdreg s24  }
0xaf: {  	[dreg:$0x3] =	wrdreg $0x9  }
0xb0: {  	_ =	task.clear_ibuf [dreg:s6], $0x4FFFF;
	_ =	strace $0x90000046  }
0xb1: {  	s29 =	simm.s32 $0x9;
	_ =	strace $0x80000048  }
0xb2: {  	_ =	swait.ge [sflag:s29], $0x1  }
0xb3: {  	[sflag:s29] =	ssyncadd.s32 $0xFFFFFFFF  }
0xb4: {  	_ =	strace $0x90000048  }
0xb5: {  	_ =	sfence  }
0xb6: {  	s30 =	sld [smem:$0x0];
	_ =	sdelay $0x2  }
0xb7: {  	s31 =	sshll.u32 s1, $0xD;
	s1 =	sshrl.u32 s1, $0x2  }
0xb8: {  	s3 =	sand.u32 $0x4000, s31;
	s1 =	sadd.s32 s1, s30  }
0xb9: {  	s0 =	sor.u32 s3, s0;
	s1 =	sshll.u32 s1, $0x11  }
0xba: {  	s0 =	sor.u32 s1, s0  }
0xbb: {  	s0 =	sadd.s32 $0x8F2B, s0  }
0xbc: {  	[sflag:s0] =	ssyncadd.remote.s32 $0x1  }
0xbd: {  	_ =	sfence.sel $0xFFFF  }
0xbe: {  	[dreg:$0x0] =	wrdreg $0xFFFFFFFF;
	(pc) =	sbr.abs _section_cstart, $3  }
0xbf: {  	[dreg:$0x1] =	wrdreg $0xFFFFFFFF  }
0xc0: {  	_ =	task.clear_ibuf [dreg:s6], $0x2FFFF;
	_ =	strace $0x9FFFFFFF  }
0xc1: {  	(tm) =	ssettm $0x7FFFFFFF  }
tec
execute0_lowered:
.L_overlay_start_1:
0x0: {  	(tag) =	ssettag $0x1  }
0x1: {  	s1 =	srdreg.scid  }
0x2: {  	s0 =	stileid.u32;
	s3 =	rddreg [dreg:$0x0]  }
0x3: {  	s2 =	simm.s32 $0x0;
	s4 =	sand.u32 $0x1, s1;
	s5 =	sshll.u32 s0, $0x1  }
0x4: {  	s9 =	simm.s32 $0xF000;
	s1 =	rddreg [dreg:$0x1];
	s5 =	sor.u32 s4, s5  }
0x5: {  	s10 =	simm.s32 $0x0;
	[smem:$0x7FF] =	sst s2;
	s6 =	smul.u32 $0x1800, s5  }
0x6: {  	s4 =	ssub.s32 $0x2, s4;
	s7 =	smul.u32 $0x600, s5;
	s5 =	sshll.u32 s5, $0x4  }
0x7: {  	_ =	strace $0x80000047;
	s31 =	sshrl.u32 s4, $0x1;
	s5 =	sadd.s32 s5, s3  }
0x8: {  	s8 =	ssub.s32 s4, s31;
	s6 =	sadd.s32 s6, s3;
	s7 =	sadd.s32 s7, s3  }
0x9: {  	s5 =	sadd.s32 $0x3C400, s5;
	s3 =	sadd.s32 $0x400, s6;
	s4 =	sadd.s32 $0x30400, s7  }
0xa: {  	s6 =	smax.u32 s8, $0x1;
	s7 =	simm.s32 $0x1;
	s8 =	simm.s32 $0xC000  }
.LBB2_1:
0xb: {  	[tilespmem:s2], [sflag:$0x1] =	stream.linear.gather [hbm4b:s3+s2], $0xC000, $0x38;
	[tilespmem:$0xF080] =	vst v63  }
0xc: {  	_ =	swait.ge [sflag:s7], $0xC000  }
0xd: {  	[sflag:s7] =	ssyncset.done $0x0  }
0xe: {  	[sflag:s7] =	ssyncadd.s32 $0xFFFF4000  }
0xf: {  	[tilespmem:s8], [sflag:$0x1] =	stream.linear.gather [hbm4b:s4+s2], $0x3000, $0x38;
	[tilespmem:$0xF080] =	vst v63  }
0x10: {  	_ =	swait.ge [sflag:s7], $0x3000  }
0x11: {  	s11 =	sand.u32 $0x70, s2;
	s12 =	sand.u32 $0xC00, s2;
	[sflag:s7] =	ssyncset.done $0x0  }
0x12: {  	s12 =	sor.u32 s11, s12;
	[sflag:s7] =	ssyncadd.s32 $0xFFFFD000  }
0x13: {  	v0 =	vld [tilespmem:s12+$0x0];
	_ =	sdelay $0x1  }
0x14: {  	v2 =	vimm.f32 $0.0e+00;
	s11 =	simm.s32 $0x10;
	v1 =	vld [tilespmem:s12+$0xC000];
	s12 =	simm.s32 $0x0  }
.LBB2_2:
0x15: {  	s13 =	sand.u32 $0x70, s11;
	s12 =	sadd.s32 $0x80, s12;
	p0 =	sne.s32 s11, $0x150  }
.Ltmp0:
0x16: {  	s11 =	sadd.s32 $0x10, s11;
	s14 =	sand.u32 $0xC00, s12;
	(pc) =	sbr.rel @p0 .LBB2_2-.Ltmp0, $4  }
0x17: {  	s13 =	sor.u32 s13, s14;
	v2 =	vadd.f32 v0, v2  }
0x18: {  	v0 =	vld [tilespmem:s13+$0x0]  }
0x19: {  	v2 =	vadd.f32 v1, v2  }
0x1a: {  	v1 =	vld [tilespmem:s13+$0xC000]  }
0x1b: {  	_ =	sdelay $0x1  }
0x1c: {  	v0 =	vadd.f32 v0, v2;
	_ =	sdelay $0x1  }
0x1d: {  	s10 =	sadd.s32 $0x1, s10;
	v0 =	vadd.f32 v1, v0  }
0x1e: {  	p0 =	sne.s32 s10, s6  }
.Ltmp1:
0x1f: {  	[tilespmem:$0xF000] =	vst v0;
	(pc) =	sbr.rel @p0 .LBB2_1-.Ltmp1, $4  }
0x20: {  	[hbm4b:s5+s2] =	stream.linear.scatter [tilespmem:s9], [sflag:$0x1], $0x80, $0x38;
	[tilespmem:$0xF080] =	vst v63  }
0x21: {  	_ =	swait.ge [sflag:s7], $0x80  }
0x22: {  	[sflag:s7] =	ssyncset.done $0x0  }
0x23: {  	[sflag:s7] =	ssyncadd.s32 $0xFFFFFF80  }
0x24: {  	_ =	sfence.sel $0x180000  }
0x25: {  	[bflag:$0x0] =	sbarrier.arrive $0xFFFF  }
0x26: {  	p0 =	sne.s32 s0, $0x0;
	_ =	strace $0x90000047  }
0x27: {  	s0 =	sadd.s32 @!p0 $0x100000, s1;
	[bflag:$0x2] =	sbarrier.arrive $0xFFFF  }
0x28: {  	[sflag:s0] =	ssyncadd.tile.s32 @!p0 $0x1;
	_ =	shalt  }
.Lfunc_end2:
_tile_overlayer_lowered:
.L_overlay_start_2:
0x29: {  	(tag) =	ssettag $0x2  }
0x2a: {  	s0 =	rddreg [dreg:$0x0];
	s2 =	stileid.u32  }
0x2b: {  	s1 =	rddreg [dreg:$0x1];
	p0 =	sne.s32 s2, $0x0  }
0x2c: {  	s3 =	rddreg [dreg:$0x2];
	[bflag:$0x3] =	sbarrier.arrive $0xFFFF;
	s2 =	simm.s32 @!p0 $0x1C01  }
0x2d: {  	[timem:s3], [sflag:s2] =	dma.local @!p0 [hbm:s0], s1  }
0x2e: {  	s0 =	simm.s32 @!p0 $0x1  }
0x2f: {  	_ =	swait.ge @!p0 [sflag:s0], s1  }
0x30: {  	s1 =	ssub.s32 @!p0 $0x0, s1;
	[sflag:s0] =	ssyncset.done @!p0 $0x0  }
0x31: {  	[sflag:s0] =	ssyncadd.s32 @!p0 s1  }
0x32: {  	[bflag:$0x3] =	sbarrier.arrive $0xFFFF  }
0x33: {  	_ =	shalt  }

</sc_bundles>
